<compile_context>
chip_gen: v7x
topology: tpu7x:2x2x1
jax: 0.10.2.dev20260603
libtpu: 0.0.44.dev20260713+nightly
codegen_flags: <defaults>
</compile_context>

<pallas_src>
import functools

import jax
import jax.numpy as jnp
from jax import lax
from jax.experimental import pallas as pl
from jax.experimental.pallas import tpu as pltpu
from jax.experimental.pallas import tpu_sc as plsc

_NC = 2
_NS = 16
_CHUNK = 96
_HALF = 128


def _sc_spmm(h2, gidx, dsti, zeros, n_acc, n_chunks):
    rows_per_sub = n_acc // _NS
    mesh = plsc.VectorSubcoreMesh(core_axis_name="c", subcore_axis_name="s")

    @functools.partial(
        pl.kernel,
        mesh=mesh,
        out_type=jax.ShapeDtypeStruct((_NC, n_acc, _HALF), jnp.float32),
        scratch_types=[
            pltpu.VMEM((n_chunks * _CHUNK,), jnp.int32),
            pltpu.VMEM((n_chunks, _CHUNK), jnp.int32),
            pltpu.VMEM((_CHUNK, _HALF), jnp.float32),
            pltpu.VMEM((_CHUNK, _HALF), jnp.float32),
            pltpu.VMEM_SHARED((n_acc, _HALF), jnp.float32),
            pltpu.SemaphoreType.DMA,
            pltpu.SemaphoreType.DMA,
        ],
    )
    def spmm(h2_hbm, gidx_hbm, dst_hbm, z_hbm, out_hbm, gi_v, di_v,
             rows0, rows1, acc, sem0, sem1):
        c = lax.axis_index("c")
        s = lax.axis_index("s")
        r0 = s * rows_per_sub
        pltpu.sync_copy(z_hbm.at[pl.ds(r0, rows_per_sub)],
                        acc.at[pl.ds(r0, rows_per_sub)])
        pltpu.sync_copy(gidx_hbm.at[c, s], gi_v)
        pltpu.sync_copy(dst_hbm.at[s], di_v)
        plsc.subcore_barrier()

        rows = (rows0, rows1)
        sems = (sem0, sem1)

        def gidx_of(j):
            return gi_v.at[pl.ds(j * _CHUNK, _CHUNK)]

        pltpu.async_copy(h2_hbm.at[gidx_of(0)], rows[0], sems[0])

        def pair(j0, carry):
            for b in range(2):
                j = j0 * 2 + b
                nb = 1 - b

                @pl.when(j + 1 < n_chunks)
                def _():
                    pltpu.async_copy(h2_hbm.at[gidx_of(j + 1)], rows[nb], sems[nb])

                pltpu.make_async_copy(h2_hbm.at[gidx_of(j)], rows[b], sems[b]).wait()
                pltpu.sync_copy(rows[b], acc.at[di_v.at[j]], add=True)
            return carry

        lax.fori_loop(0, n_chunks // 2, pair, 0)
        plsc.subcore_barrier()
        pltpu.sync_copy(acc.at[pl.ds(r0, rows_per_sub)],
                        out_hbm.at[c, pl.ds(r0, rows_per_sub)])

    return spmm(h2, gidx, dsti, zeros)


def _self_body(h_ref, wsT_ref, bs_ref, o_ref):
    o_ref[...] = jnp.dot(h_ref[...], wsT_ref[...],
                         preferred_element_type=jnp.float32) + bs_ref[...]


def _self_mm(h, wsT, b_self):
    n, d = h.shape
    blk = 400
    return pl.pallas_call(
        _self_body,
        grid=(n // blk,),
        in_specs=[
            pl.BlockSpec((blk, d), lambda i: (i, 0)),
            pl.BlockSpec((d, d), lambda i: (0, 0)),
            pl.BlockSpec((1, d), lambda i: (0, 0)),
        ],
        out_specs=pl.BlockSpec((blk, d), lambda i: (i, 0)),
        out_shape=jax.ShapeDtypeStruct((n, d), jnp.float32),
    )(h, wsT, b_self.reshape(1, d))


def _post_body(sh_ref, s0_ref, s1_ref, wn0_ref, wn1_ref,
               bn_ref, g_ref, bt_ref, o_ref):
    d = sh_ref.shape[1]
    d2 = 2 * d
    self_h = sh_ref[...]
    neigh = (jnp.dot(s0_ref[0], wn0_ref[...], preferred_element_type=jnp.float32)
             + jnp.dot(s1_ref[0], wn1_ref[...], preferred_element_type=jnp.float32)
             + bn_ref[...])
    mean = (jnp.sum(self_h, axis=1, keepdims=True)
            + jnp.sum(neigh, axis=1, keepdims=True)) * (1.0 / d2)
    ex2 = (jnp.sum(self_h * self_h, axis=1, keepdims=True)
           + jnp.sum(neigh * neigh, axis=1, keepdims=True)) * (1.0 / d2)
    inv = lax.rsqrt(ex2 - mean * mean + 1e-5)
    o_ref[:, :d] = (self_h - mean) * inv * g_ref[:, :d] + bt_ref[:, :d]
    o_ref[:, d:] = (neigh - mean) * inv * g_ref[:, d:] + bt_ref[:, d:]


def _post(self_h, support, wnT, b_neigh, gamma, beta):
    n, d = self_h.shape
    d2 = 2 * d
    blk = 400
    grid = (n // blk,)
    return pl.pallas_call(
        _post_body,
        grid=grid,
        in_specs=[
            pl.BlockSpec((blk, d), lambda i: (i, 0)),
            pl.BlockSpec((1, blk, _HALF), lambda i: (0, i, 0)),
            pl.BlockSpec((1, blk, _HALF), lambda i: (1, i, 0)),
            pl.BlockSpec((_HALF, d), lambda i: (0, 0)),
            pl.BlockSpec((_HALF, d), lambda i: (0, 0)),
            pl.BlockSpec((1, d), lambda i: (0, 0)),
            pl.BlockSpec((1, d2), lambda i: (0, 0)),
            pl.BlockSpec((1, d2), lambda i: (0, 0)),
        ],
        out_specs=pl.BlockSpec((blk, d2), lambda i: (i, 0)),
        out_shape=jax.ShapeDtypeStruct((n, d2), jnp.float32),
    )(self_h, support, support, wnT[:_HALF], wnT[_HALF:],
      b_neigh.reshape(1, d),
      gamma.reshape(1, d2), beta.reshape(1, d2))


def kernel(h, edge_index, W_self, b_self, W_neigh, b_neigh, gamma, beta):
    n, d = h.shape
    e = edge_index.shape[1]
    src = edge_index[0].astype(jnp.int32)
    dst = edge_index[1].astype(jnp.int32)

    epg = _NS * _CHUNK * 2
    e_pad = ((e + epg - 1) // epg) * epg
    n_chunks = e_pad // (_NS * _CHUNK)
    pad = e_pad - e
    src_p = jnp.concatenate([src, jnp.zeros((pad,), jnp.int32)])
    dst_p = jnp.concatenate([dst, jnp.full((pad,), n, jnp.int32)])

    rows_per_sub = ((-(-(n + 1) // _NS) + 7) // 8) * 8
    n_acc = rows_per_sub * _NS

    gidx = jnp.stack([src_p * 2, src_p * 2 + 1]).reshape(_NC, _NS, n_chunks * _CHUNK)
    dsti = dst_p.reshape(_NS, n_chunks, _CHUNK)
    h2 = h.reshape(2 * n, _HALF)
    zeros = jnp.zeros((n_acc, _HALF), jnp.float32)

    support = _sc_spmm(h2, gidx, dsti, zeros, n_acc, n_chunks)
    self_h = _self_mm(h, W_self.T, b_self)
    return _post(self_h, support, W_neigh.T, b_neigh, gamma, beta)

# --- scband reference (transcript-rebuilt; emitter-appended) ---
"""Pipeline reference for scband-rec-sageconv-81131932221717 (READ-ONLY COPY).

The authoritative reference and input builder live on the scoring server;
editing this copy changes nothing except your own understanding.
"""

import jax, jax.numpy as jnp
import numpy as np

N_NODES = 10000
N_EDGES = 160000
D_IN = 256
D_OUT = 256


def setup_inputs(seed: int = 0) -> dict:
    key = jax.random.key(seed)
    ks = jax.random.split(key, 8)
    h = jax.random.normal(ks[0], (N_NODES, D_IN), dtype=jnp.float32)
    edge_index = jax.random.randint(ks[1], (2, N_EDGES), 0, N_NODES, dtype=jnp.int64 if jax.config.jax_enable_x64 else jnp.int32)
    s = 1.0 / np.sqrt(D_IN)
    W_self = jax.random.uniform(ks[2], (D_OUT, D_IN), minval=-s, maxval=s, dtype=jnp.float32)
    b_self = jax.random.uniform(ks[3], (D_OUT,), minval=-s, maxval=s, dtype=jnp.float32)
    W_neigh = jax.random.uniform(ks[4], (D_OUT, D_IN), minval=-s, maxval=s, dtype=jnp.float32)
    b_neigh = jax.random.uniform(ks[5], (D_OUT,), minval=-s, maxval=s, dtype=jnp.float32)
    gamma = jnp.ones((2 * D_OUT,), dtype=jnp.float32)
    beta = jnp.zeros((2 * D_OUT,), dtype=jnp.float32)
    return {"h": h, "edge_index": edge_index, "W_self": W_self, "b_self": b_self, "W_neigh": W_neigh, "b_neigh": b_neigh, "gamma": gamma, "beta": beta}


def reference(h, edge_index, W_self, b_self, W_neigh, b_neigh, gamma, beta):
    # adj.spmm(h): sparse adjacency (dst x src, unit values) times h ->
    # gather source features along edges, scatter-add into destination rows.
    src = edge_index[0]
    dst = edge_index[1]
    support = jax.ops.segment_sum(jnp.take(h, src, axis=0), dst, num_segments=N_NODES)
    # out_nodes = adj.size(0) == N_NODES; recycle_vec is None
    h_self = h[:N_NODES]
    self_h = h_self @ W_self.T + b_self
    neigh_h = support @ W_neigh.T + b_neigh
    out = jnp.concatenate([self_h, neigh_h], axis=1)
    # activation is None -> skipped
    mean = jnp.mean(out, axis=-1, keepdims=True)
    var = jnp.var(out, axis=-1, keepdims=True)
    out = (out - mean) / jnp.sqrt(var + 1e-5) * gamma + beta
    return out

if __name__ == "__main__":
    import jax
    _d = setup_inputs()
    print(jax.jit(kernel)(*tuple(_d.values())))

</pallas_src>

<mosaic_0001>
#map = affine_map<(d0, d1) -> (0, 0)>
#map1 = affine_map<(d0, d1) -> (0, 0, 0)>
module attributes {stable_mosaic.version = 14 : i64} {
  func.func @spmm(%arg0: i32, %arg1: i32, %arg2: memref<20000x128xf32, #tpu.memory_space<hbm>>, %arg3: memref<2x16x10176xi32, #tpu.memory_space<hbm>>, %arg4: memref<16x106x96xi32, #tpu.memory_space<hbm>>, %arg5: memref<10112x128xf32, #tpu.memory_space<hbm>>, %arg6: memref<2x10112x128xf32, #tpu.memory_space<hbm>>, %arg7: memref<10176xi32, #tpu.memory_space<vmem>>, %arg8: memref<106x96xi32, #tpu.memory_space<vmem>>, %arg9: memref<96x128xf32, #tpu.memory_space<vmem>>, %arg10: memref<96x128xf32, #tpu.memory_space<vmem>>, %arg11: memref<10112x128xf32, #tpu.memory_space<vmem_shared>>, %arg12: memref<!tpu.dma_semaphore, #tpu.memory_space<semaphore_mem>>, %arg13: memref<!tpu.dma_semaphore, #tpu.memory_space<semaphore_mem>>) attributes {dimension_semantics = [#tpu.dimension_semantics<core_parallel>, #tpu.dimension_semantics<subcore_parallel>], iteration_bounds = array<i64: 2, 16>, scalar_prefetch = 0 : i64, scratch_operands = 7 : i64, tpu.core_type = #tpu.core_type<sc_vector_subcore>, window_params = [{transform_indices = #map}, {transform_indices = #map1}, {transform_indices = #map1}, {transform_indices = #map}, {transform_indices = #map1}]} {
    %mul3A = arith.constant 632 : i32
    %mul3A_0 = arith.muli %arg1, %mul3A : i32
    "tpu.region"() ({
      %run_scoped3A = tpu.sem_alloc : memref<!tpu.dma_semaphore, #tpu.memory_space<semaphore_mem>>
      %dma_start3A_11 = arith.constant 0 : i32
      %dma_start3A_12 = tpu.memref_slice %arg11[%mul3A_0, %dma_start3A_11] : memref<10112x128xf32, #tpu.memory_space<vmem_shared>> -> memref<632x128xf32, #tpu.memory_space<vmem_shared>>
      %dma_start3A_13 = arith.constant 0 : i32
      %dma_start3A_14 = tpu.memref_slice %arg5[%mul3A_0, %dma_start3A_13] : memref<10112x128xf32, #tpu.memory_space<hbm>> -> memref<632x128xf32, #tpu.memory_space<hbm>>
      tpu.enqueue_dma source(%dma_start3A_14 : memref<632x128xf32, #tpu.memory_space<hbm>>) target(%dma_start3A_12 : memref<632x128xf32, #tpu.memory_space<vmem_shared>>) target_semaphore(%run_scoped3A : memref<!tpu.dma_semaphore, #tpu.memory_space<semaphore_mem>>)
      %dma_wait3A = arith.constant 0 : i32
      %dma_wait3A_15 = tpu.memref_slice %arg11[%mul3A_0, %dma_wait3A] : memref<10112x128xf32, #tpu.memory_space<vmem_shared>> -> memref<632x128xf32, #tpu.memory_space<vmem_shared>>
      %dma_wait3A_16 = arith.constant 0 : i32
      %dma_wait3A_17 = tpu.memref_slice %arg5[%mul3A_0, %dma_wait3A_16] : memref<10112x128xf32, #tpu.memory_space<hbm>> -> memref<632x128xf32, #tpu.memory_space<hbm>>
      tpu.wait_dma2 semaphore(%run_scoped3A : memref<!tpu.dma_semaphore, #tpu.memory_space<semaphore_mem>>) src(%dma_wait3A_17 : memref<632x128xf32, #tpu.memory_space<hbm>>) dst(%dma_wait3A_15 : memref<632x128xf32, #tpu.memory_space<vmem_shared>>)
      tpu.yield
    }) : () -> ()
    "tpu.region"() ({
      %run_scoped3A = tpu.sem_alloc : memref<!tpu.dma_semaphore, #tpu.memory_space<semaphore_mem>>
      %dma_start3A_11 = arith.constant 0 : i32
      %dma_start3A_12 = tpu.memref_slice %arg3[%arg0, %arg1, %dma_start3A_11] : memref<2x16x10176xi32, #tpu.memory_space<hbm>> -> memref<1x1x10176xi32, #tpu.memory_space<hbm>>
      %dma_start3A_13 = tpu.memref_squeeze %dma_start3A_12 : memref<1x1x10176xi32, #tpu.memory_space<hbm>> -> memref<10176xi32, #tpu.memory_space<hbm>>
      %dma_start3A_14 = arith.constant 0 : i32
      %dma_start3A_15 = tpu.memref_slice %arg3[%arg0, %arg1, %dma_start3A_14] : memref<2x16x10176xi32, #tpu.memory_space<hbm>> -> memref<1x1x10176xi32, #tpu.memory_space<hbm>>
      %dma_start3A_16 = tpu.memref_squeeze %dma_start3A_15 : memref<1x1x10176xi32, #tpu.memory_space<hbm>> -> memref<10176xi32, #tpu.memory_space<hbm>>
      tpu.enqueue_dma source(%dma_start3A_16 : memref<10176xi32, #tpu.memory_space<hbm>>) target(%arg7 : memref<10176xi32, #tpu.memory_space<vmem>>) target_semaphore(%run_scoped3A : memref<!tpu.dma_semaphore, #tpu.memory_space<semaphore_mem>>)
      %dma_wait3A = arith.constant 0 : i32
      %dma_wait3A_17 = tpu.memref_slice %arg3[%arg0, %arg1, %dma_wait3A] : memref<2x16x10176xi32, #tpu.memory_space<hbm>> -> memref<1x1x10176xi32, #tpu.memory_space<hbm>>
      %dma_wait3A_18 = tpu.memref_squeeze %dma_wait3A_17 : memref<1x1x10176xi32, #tpu.memory_space<hbm>> -> memref<10176xi32, #tpu.memory_space<hbm>>
      %dma_wait3A_19 = arith.constant 0 : i32
      %dma_wait3A_20 = tpu.memref_slice %arg3[%arg0, %arg1, %dma_wait3A_19] : memref<2x16x10176xi32, #tpu.memory_space<hbm>> -> memref<1x1x10176xi32, #tpu.memory_space<hbm>>
      %dma_wait3A_21 = tpu.memref_squeeze %dma_wait3A_20 : memref<1x1x10176xi32, #tpu.memory_space<hbm>> -> memref<10176xi32, #tpu.memory_space<hbm>>
      tpu.wait_dma2 semaphore(%run_scoped3A : memref<!tpu.dma_semaphore, #tpu.memory_space<semaphore_mem>>) src(%dma_wait3A_21 : memref<10176xi32, #tpu.memory_space<hbm>>) dst(%arg7 : memref<10176xi32, #tpu.memory_space<vmem>>)
      tpu.yield
    }) : () -> ()
    "tpu.region"() ({
      %run_scoped3A = tpu.sem_alloc : memref<!tpu.dma_semaphore, #tpu.memory_space<semaphore_mem>>
      %dma_start3A_11 = arith.constant 0 : i32
      %dma_start3A_12 = arith.constant 0 : i32
      %dma_start3A_13 = tpu.memref_slice %arg4[%arg1, %dma_start3A_11, %dma_start3A_12] : memref<16x106x96xi32, #tpu.memory_space<hbm>> -> memref<1x106x96xi32, #tpu.memory_space<hbm>>
      %dma_start3A_14 = tpu.memref_squeeze %dma_start3A_13 : memref<1x106x96xi32, #tpu.memory_space<hbm>> -> memref<106x96xi32, #tpu.memory_space<hbm>>
      %dma_start3A_15 = arith.constant 0 : i32
      %dma_start3A_16 = arith.constant 0 : i32
      %dma_start3A_17 = tpu.memref_slice %arg4[%arg1, %dma_start3A_15, %dma_start3A_16] : memref<16x106x96xi32, #tpu.memory_space<hbm>> -> memref<1x106x96xi32, #tpu.memory_space<hbm>>
      %dma_start3A_18 = tpu.memref_squeeze %dma_start3A_17 : memref<1x106x96xi32, #tpu.memory_space<hbm>> -> memref<106x96xi32, #tpu.memory_space<hbm>>
      tpu.enqueue_dma source(%dma_start3A_18 : memref<106x96xi32, #tpu.memory_space<hbm>>) target(%arg8 : memref<106x96xi32, #tpu.memory_space<vmem>>) target_semaphore(%run_scoped3A : memref<!tpu.dma_semaphore, #tpu.memory_space<semaphore_mem>>)
      %dma_wait3A = arith.constant 0 : i32
      %dma_wait3A_19 = arith.constant 0 : i32
      %dma_wait3A_20 = tpu.memref_slice %arg4[%arg1, %dma_wait3A, %dma_wait3A_19] : memref<16x106x96xi32, #tpu.memory_space<hbm>> -> memref<1x106x96xi32, #tpu.memory_space<hbm>>
      %dma_wait3A_21 = tpu.memref_squeeze %dma_wait3A_20 : memref<1x106x96xi32, #tpu.memory_space<hbm>> -> memref<106x96xi32, #tpu.memory_space<hbm>>
      %dma_wait3A_22 = arith.constant 0 : i32
      %dma_wait3A_23 = arith.constant 0 : i32
      %dma_wait3A_24 = tpu.memref_slice %arg4[%arg1, %dma_wait3A_22, %dma_wait3A_23] : memref<16x106x96xi32, #tpu.memory_space<hbm>> -> memref<1x106x96xi32, #tpu.memory_space<hbm>>
      %dma_wait3A_25 = tpu.memref_squeeze %dma_wait3A_24 : memref<1x106x96xi32, #tpu.memory_space<hbm>> -> memref<106x96xi32, #tpu.memory_space<hbm>>
      tpu.wait_dma2 semaphore(%run_scoped3A : memref<!tpu.dma_semaphore, #tpu.memory_space<semaphore_mem>>) src(%dma_wait3A_25 : memref<106x96xi32, #tpu.memory_space<hbm>>) dst(%arg8 : memref<106x96xi32, #tpu.memory_space<vmem>>)
      tpu.yield
    }) : () -> ()
    %barrier3A = arith.constant 0 : index
    tpu.barrier barrier_id(%barrier3A)
    %dma_start3A = arith.constant 0 : i32
    %dma_start3A_1 = tpu.memref_slice %arg7[%dma_start3A] : memref<10176xi32, #tpu.memory_space<vmem>> -> memref<96xi32, #tpu.memory_space<vmem>>
    %dma_start3A_2 = arith.constant 0 : i32
    %dma_start3A_3 = arith.constant 0 : i32
    %dma_start3A_4 = tpu.memref_slice %arg2[%dma_start3A_2, %dma_start3A_3] : memref<20000x128xf32, #tpu.memory_space<hbm>> -> memref<20000x128xf32, #tpu.memory_space<hbm>>
    tpu.enqueue_indirect_dma source(%dma_start3A_4 : memref<20000x128xf32, #tpu.memory_space<hbm>>) target(%arg9 : memref<96x128xf32, #tpu.memory_space<vmem>>) offsets(%dma_start3A_1 : memref<96xi32, #tpu.memory_space<vmem>>) semaphore(%arg12 : memref<!tpu.dma_semaphore, #tpu.memory_space<semaphore_mem>>)
    %scan3A = arith.constant 0 : i32
    %scan3A_5 = arith.constant 0 : i32
    %scan3A_6 = arith.constant 53 : i32
    %scan3A_7 = arith.addi %scan3A_5, %scan3A_6 : i32
    %scan3A_8 = arith.constant 1 : i32
    scf.for %scan3A_11 = %scan3A_5 to %scan3A_7 step %scan3A_8  : i32 {
      %mul3A_12 = arith.constant 2 : i32
      %mul3A_13 = arith.muli %scan3A_11, %mul3A_12 : i32
      %add3A = arith.constant 0 : i32
      %add3A_14 = arith.addi %mul3A_13, %add3A : i32
      %add3A_15 = arith.constant 1 : i32
      %add3A_16 = arith.addi %add3A_14, %add3A_15 : i32
      %lt3A = arith.constant 106 : i32
      %lt3A_17 = arith.cmpi slt, %add3A_16, %lt3A : i32
      %convert_element_type3A = arith.extui %lt3A_17 : i1 to i32
      %cond3A = arith.constant 0 : i32
      %cond3A_18 = arith.cmpi ne, %convert_element_type3A, %cond3A : i32
      scf.if %cond3A_18 {
        %add3A_41 = arith.constant 1 : i32
        %add3A_42 = arith.addi %add3A_14, %add3A_41 : i32
        %mul3A_43 = arith.constant 96 : i32
        %mul3A_44 = arith.muli %add3A_42, %mul3A_43 : i32
        %dma_start3A_45 = tpu.memref_slice %arg7[%mul3A_44] : memref<10176xi32, #tpu.memory_space<vmem>> -> memref<96xi32, #tpu.memory_space<vmem>>
        %dma_start3A_46 = arith.constant 0 : i32
        %dma_start3A_47 = arith.constant 0 : i32
        %dma_start3A_48 = tpu.memref_slice %arg2[%dma_start3A_46, %dma_start3A_47] : memref<20000x128xf32, #tpu.memory_space<hbm>> -> memref<20000x128xf32, #tpu.memory_space<hbm>>
        tpu.enqueue_indirect_dma source(%dma_start3A_48 : memref<20000x128xf32, #tpu.memory_space<hbm>>) target(%arg10 : memref<96x128xf32, #tpu.memory_space<vmem>>) offsets(%dma_start3A_45 : memref<96xi32, #tpu.memory_space<vmem>>) semaphore(%arg13 : memref<!tpu.dma_semaphore, #tpu.memory_space<semaphore_mem>>)
      } else {
      }
      %mul3A_19 = arith.constant 96 : i32
      %mul3A_20 = arith.muli %add3A_14, %mul3A_19 : i32
      %dma_wait3A = tpu.memref_slice %arg7[%mul3A_20] : memref<10176xi32, #tpu.memory_space<vmem>> -> memref<96xi32, #tpu.memory_space<vmem>>
      %dma_wait3A_21 = arith.constant 0 : i32
      %dma_wait3A_22 = arith.constant 0 : i32
      %dma_wait3A_23 = tpu.memref_slice %arg2[%dma_wait3A_21, %dma_wait3A_22] : memref<20000x128xf32, #tpu.memory_space<hbm>> -> memref<20000x128xf32, #tpu.memory_space<hbm>>
      tpu.wait_indirect_dma semaphore(%arg12 : memref<!tpu.dma_semaphore, #tpu.memory_space<semaphore_mem>>) src(%dma_wait3A_23 : memref<20000x128xf32, #tpu.memory_space<hbm>>) dst(%arg9 : memref<96x128xf32, #tpu.memory_space<vmem>>)
      "tpu.region"() ({
        %run_scoped3A = tpu.sem_alloc : memref<!tpu.dma_semaphore, #tpu.memory_space<semaphore_mem>>
        %dma_start3A_41 = arith.constant 0 : i32
        %dma_start3A_42 = tpu.memref_slice %arg8[%add3A_14, %dma_start3A_41] : memref<106x96xi32, #tpu.memory_space<vmem>> -> memref<1x96xi32, #tpu.memory_space<vmem>>
        %dma_start3A_43 = tpu.memref_squeeze %dma_start3A_42 : memref<1x96xi32, #tpu.memory_space<vmem>> -> memref<96xi32, #tpu.memory_space<vmem>>
        %dma_start3A_44 = arith.constant 0 : i32
        %dma_start3A_45 = arith.constant 0 : i32
        %dma_start3A_46 = tpu.memref_slice %arg11[%dma_start3A_44, %dma_start3A_45] : memref<10112x128xf32, #tpu.memory_space<vmem_shared>> -> memref<10112x128xf32, #tpu.memory_space<vmem_shared>>
        tpu.enqueue_indirect_dma source(%arg9 : memref<96x128xf32, #tpu.memory_space<vmem>>) target(%dma_start3A_46 : memref<10112x128xf32, #tpu.memory_space<vmem_shared>>) offsets(%dma_start3A_43 : memref<96xi32, #tpu.memory_space<vmem>>) semaphore(%run_scoped3A : memref<!tpu.dma_semaphore, #tpu.memory_space<semaphore_mem>>) {add = true}
        %dma_wait3A_47 = arith.constant 0 : i32
        %dma_wait3A_48 = tpu.memref_slice %arg8[%add3A_14, %dma_wait3A_47] : memref<106x96xi32, #tpu.memory_space<vmem>> -> memref<1x96xi32, #tpu.memory_space<vmem>>
        %dma_wait3A_49 = tpu.memref_squeeze %dma_wait3A_48 : memref<1x96xi32, #tpu.memory_space<vmem>> -> memref<96xi32, #tpu.memory_space<vmem>>
        %dma_wait3A_50 = arith.constant 0 : i32
        %dma_wait3A_51 = arith.constant 0 : i32
        %dma_wait3A_52 = tpu.memref_slice %arg11[%dma_wait3A_50, %dma_wait3A_51] : memref<10112x128xf32, #tpu.memory_space<vmem_shared>> -> memref<10112x128xf32, #tpu.memory_space<vmem_shared>>
        tpu.wait_indirect_dma semaphore(%run_scoped3A : memref<!tpu.dma_semaphore, #tpu.memory_space<semaphore_mem>>) src(%arg9 : memref<96x128xf32, #tpu.memory_space<vmem>>) dst(%dma_wait3A_52 : memref<10112x128xf32, #tpu.memory_space<vmem_shared>>)
        tpu.yield
      }) : () -> ()
      %mul3A_24 = arith.constant 2 : i32
      %mul3A_25 = arith.muli %scan3A_11, %mul3A_24 : i32
      %add3A_26 = arith.constant 1 : i32
      %add3A_27 = arith.addi %mul3A_25, %add3A_26 : i32
      %add3A_28 = arith.constant 1 : i32
      %add3A_29 = arith.addi %add3A_27, %add3A_28 : i32
      %lt3A_30 = arith.constant 106 : i32
      %lt3A_31 = arith.cmpi slt, %add3A_29, %lt3A_30 : i32
      %convert_element_type3A_32 = arith.extui %lt3A_31 : i1 to i32
      %cond3A_33 = arith.constant 0 : i32
      %cond3A_34 = arith.cmpi ne, %convert_element_type3A_32, %cond3A_33 : i32
      scf.if %cond3A_34 {
        %add3A_41 = arith.constant 1 : i32
        %add3A_42 = arith.addi %add3A_27, %add3A_41 : i32
        %mul3A_43 = arith.constant 96 : i32
        %mul3A_44 = arith.muli %add3A_42, %mul3A_43 : i32
        %dma_start3A_45 = tpu.memref_slice %arg7[%mul3A_44] : memref<10176xi32, #tpu.memory_space<vmem>> -> memref<96xi32, #tpu.memory_space<vmem>>
        %dma_start3A_46 = arith.constant 0 : i32
        %dma_start3A_47 = arith.constant 0 : i32
        %dma_start3A_48 = tpu.memref_slice %arg2[%dma_start3A_46, %dma_start3A_47] : memref<20000x128xf32, #tpu.memory_space<hbm>> -> memref<20000x128xf32, #tpu.memory_space<hbm>>
        tpu.enqueue_indirect_dma source(%dma_start3A_48 : memref<20000x128xf32, #tpu.memory_space<hbm>>) target(%arg9 : memref<96x128xf32, #tpu.memory_space<vmem>>) offsets(%dma_start3A_45 : memref<96xi32, #tpu.memory_space<vmem>>) semaphore(%arg12 : memref<!tpu.dma_semaphore, #tpu.memory_space<semaphore_mem>>)
      } else {
      }
      %mul3A_35 = arith.constant 96 : i32
      %mul3A_36 = arith.muli %add3A_27, %mul3A_35 : i32
      %dma_wait3A_37 = tpu.memref_slice %arg7[%mul3A_36] : memref<10176xi32, #tpu.memory_space<vmem>> -> memref<96xi32, #tpu.memory_space<vmem>>
      %dma_wait3A_38 = arith.constant 0 : i32
      %dma_wait3A_39 = arith.constant 0 : i32
      %dma_wait3A_40 = tpu.memref_slice %arg2[%dma_wait3A_38, %dma_wait3A_39] : memref<20000x128xf32, #tpu.memory_space<hbm>> -> memref<20000x128xf32, #tpu.memory_space<hbm>>
      tpu.wait_indirect_dma semaphore(%arg13 : memref<!tpu.dma_semaphore, #tpu.memory_space<semaphore_mem>>) src(%dma_wait3A_40 : memref<20000x128xf32, #tpu.memory_space<hbm>>) dst(%arg10 : memref<96x128xf32, #tpu.memory_space<vmem>>)
      "tpu.region"() ({
        %run_scoped3A = tpu.sem_alloc : memref<!tpu.dma_semaphore, #tpu.memory_space<semaphore_mem>>
        %dma_start3A_41 = arith.constant 0 : i32
        %dma_start3A_42 = tpu.memref_slice %arg8[%add3A_27, %dma_start3A_41] : memref<106x96xi32, #tpu.memory_space<vmem>> -> memref<1x96xi32, #tpu.memory_space<vmem>>
        %dma_start3A_43 = tpu.memref_squeeze %dma_start3A_42 : memref<1x96xi32, #tpu.memory_space<vmem>> -> memref<96xi32, #tpu.memory_space<vmem>>
        %dma_start3A_44 = arith.constant 0 : i32
        %dma_start3A_45 = arith.constant 0 : i32
        %dma_start3A_46 = tpu.memref_slice %arg11[%dma_start3A_44, %dma_start3A_45] : memref<10112x128xf32, #tpu.memory_space<vmem_shared>> -> memref<10112x128xf32, #tpu.memory_space<vmem_shared>>
        tpu.enqueue_indirect_dma source(%arg10 : memref<96x128xf32, #tpu.memory_space<vmem>>) target(%dma_start3A_46 : memref<10112x128xf32, #tpu.memory_space<vmem_shared>>) offsets(%dma_start3A_43 : memref<96xi32, #tpu.memory_space<vmem>>) semaphore(%run_scoped3A : memref<!tpu.dma_semaphore, #tpu.memory_space<semaphore_mem>>) {add = true}
        %dma_wait3A_47 = arith.constant 0 : i32
        %dma_wait3A_48 = tpu.memref_slice %arg8[%add3A_27, %dma_wait3A_47] : memref<106x96xi32, #tpu.memory_space<vmem>> -> memref<1x96xi32, #tpu.memory_space<vmem>>
        %dma_wait3A_49 = tpu.memref_squeeze %dma_wait3A_48 : memref<1x96xi32, #tpu.memory_space<vmem>> -> memref<96xi32, #tpu.memory_space<vmem>>
        %dma_wait3A_50 = arith.constant 0 : i32
        %dma_wait3A_51 = arith.constant 0 : i32
        %dma_wait3A_52 = tpu.memref_slice %arg11[%dma_wait3A_50, %dma_wait3A_51] : memref<10112x128xf32, #tpu.memory_space<vmem_shared>> -> memref<10112x128xf32, #tpu.memory_space<vmem_shared>>
        tpu.wait_indirect_dma semaphore(%run_scoped3A : memref<!tpu.dma_semaphore, #tpu.memory_space<semaphore_mem>>) src(%arg10 : memref<96x128xf32, #tpu.memory_space<vmem>>) dst(%dma_wait3A_52 : memref<10112x128xf32, #tpu.memory_space<vmem_shared>>)
        tpu.yield
      }) : () -> ()
    }
    %scan3A_9 = arith.constant 53 : i32
    %barrier3A_10 = arith.constant 0 : index
    tpu.barrier barrier_id(%barrier3A_10)
    "tpu.region"() ({
      %run_scoped3A = tpu.sem_alloc : memref<!tpu.dma_semaphore, #tpu.memory_space<semaphore_mem>>
      %dma_start3A_11 = arith.constant 0 : i32
      %dma_start3A_12 = tpu.memref_slice %arg6[%arg0, %mul3A_0, %dma_start3A_11] : memref<2x10112x128xf32, #tpu.memory_space<hbm>> -> memref<1x632x128xf32, #tpu.memory_space<hbm>>
      %dma_start3A_13 = tpu.memref_squeeze %dma_start3A_12 : memref<1x632x128xf32, #tpu.memory_space<hbm>> -> memref<632x128xf32, #tpu.memory_space<hbm>>
      %dma_start3A_14 = arith.constant 0 : i32
      %dma_start3A_15 = tpu.memref_slice %arg11[%mul3A_0, %dma_start3A_14] : memref<10112x128xf32, #tpu.memory_space<vmem_shared>> -> memref<632x128xf32, #tpu.memory_space<vmem_shared>>
      tpu.enqueue_dma source(%dma_start3A_15 : memref<632x128xf32, #tpu.memory_space<vmem_shared>>) target(%dma_start3A_13 : memref<632x128xf32, #tpu.memory_space<hbm>>) target_semaphore(%run_scoped3A : memref<!tpu.dma_semaphore, #tpu.memory_space<semaphore_mem>>)
      %dma_wait3A = arith.constant 0 : i32
      %dma_wait3A_16 = tpu.memref_slice %arg6[%arg0, %mul3A_0, %dma_wait3A] : memref<2x10112x128xf32, #tpu.memory_space<hbm>> -> memref<1x632x128xf32, #tpu.memory_space<hbm>>
      %dma_wait3A_17 = tpu.memref_squeeze %dma_wait3A_16 : memref<1x632x128xf32, #tpu.memory_space<hbm>> -> memref<632x128xf32, #tpu.memory_space<hbm>>
      %dma_wait3A_18 = arith.constant 0 : i32
      %dma_wait3A_19 = tpu.memref_slice %arg11[%mul3A_0, %dma_wait3A_18] : memref<10112x128xf32, #tpu.memory_space<vmem_shared>> -> memref<632x128xf32, #tpu.memory_space<vmem_shared>>
      tpu.wait_dma2 semaphore(%run_scoped3A : memref<!tpu.dma_semaphore, #tpu.memory_space<semaphore_mem>>) src(%dma_wait3A_19 : memref<632x128xf32, #tpu.memory_space<vmem_shared>>) dst(%dma_wait3A_17 : memref<632x128xf32, #tpu.memory_space<hbm>>)
      tpu.yield
    }) : () -> ()
    return
  }
}

module attributes {stable_mosaic.version = 14 : i64} {
  func.func @_self_body(%arg0: i32, %arg1: memref<400x256xf32, #tpu.memory_space<vmem>>, %arg2: memref<256x256xf32, #tpu.memory_space<vmem>>, %arg3: memref<1x256xf32, #tpu.memory_space<vmem>>, %arg4: memref<400x256xf32, #tpu.memory_space<vmem>>) attributes {dimension_semantics = [#tpu.dimension_semantics<arbitrary>], iteration_bounds = array<i64: 25>, scalar_prefetch = 0 : i64, scratch_operands = 0 : i64, tpu.core_type = #tpu.core_type<tc>, window_params = [{transform_indices = @transform_0, window_bounds = array<i64: 400, 256>}, {pipeline_mode = #tpu.pipeline_mode<synchronous>, transform_indices = @transform_1, window_bounds = array<i64: 256, 256>}, {pipeline_mode = #tpu.pipeline_mode<synchronous>, transform_indices = @transform_2, window_bounds = array<i64: 1, 256>}, {transform_indices = @transform_3, window_bounds = array<i64: 400, 256>}]} {
    %get3A = arith.constant 0 : index
    %get3A_0 = arith.constant 0 : index
    %get3A_1 = vector.load %arg1[%get3A, %get3A_0] : memref<400x256xf32, #tpu.memory_space<vmem>>, vector<400x256xf32>
    %get3A_2 = arith.constant 0 : index
    %get3A_3 = arith.constant 0 : index
    %get3A_4 = vector.load %arg2[%get3A_2, %get3A_3] : memref<256x256xf32, #tpu.memory_space<vmem>>, vector<256x256xf32>
    %dot_general3A = arith.constant dense<0.000000e+00> : vector<400x256xf32>
    %dot_general3A_5 = tpu.matmul %get3A_1, %get3A_4, %dot_general3A {dimension_numbers = #tpu.dot_dimension_numbers<[1], [0], [0], [1], [0, 0, 1, 1], [], []>, transpose_lhs_hint = false} : vector<400x256xf32>, vector<256x256xf32>, vector<400x256xf32> -> vector<400x256xf32>
    %get3A_6 = arith.constant 0 : index
    %get3A_7 = arith.constant 0 : index
    %get3A_8 = vector.load %arg3[%get3A_6, %get3A_7] : memref<1x256xf32, #tpu.memory_space<vmem>>, vector<1x256xf32>
    %add3A = vector.broadcast %get3A_8 : vector<1x256xf32> to vector<400x256xf32>
    %add3A_9 = arith.addf %dot_general3A_5, %add3A : vector<400x256xf32>
    %swap3A = arith.constant 0 : index
    %swap3A_10 = arith.constant 0 : index
    %swap3A_11 = vector.load %arg4[%swap3A, %swap3A_10] : memref<400x256xf32, #tpu.memory_space<vmem>>, vector<400x256xf32>
    tpu.vector_store %arg4[%swap3A, %swap3A_10], %add3A_9 {strides = array<i32>} : memref<400x256xf32, #tpu.memory_space<vmem>>, vector<400x256xf32>,
    return
  }
  func.func @transform_0(%arg0: i32) -> (i32, i32) {
    %c0_i32 = arith.constant 0 : i32
    %c0_i32_0 = arith.constant 0 : i32
    return %arg0, %c0_i32 : i32, i32
  }
  func.func @transform_1(%arg0: i32) -> (i32, i32) {
    %c0_i32 = arith.constant 0 : i32
    %c0_i32_0 = arith.constant 0 : i32
    %c0_i32_1 = arith.constant 0 : i32
    return %c0_i32, %c0_i32_0 : i32, i32
  }
  func.func @transform_2(%arg0: i32) -> (i32, i32) {
    %c0_i32 = arith.constant 0 : i32
    %c0_i32_0 = arith.constant 0 : i32
    %c0_i32_1 = arith.constant 0 : i32
    return %c0_i32, %c0_i32_0 : i32, i32
  }
  func.func @transform_3(%arg0: i32) -> (i32, i32) {
    %c0_i32 = arith.constant 0 : i32
    %c0_i32_0 = arith.constant 0 : i32
    return %arg0, %c0_i32 : i32, i32
  }
}

module attributes {stable_mosaic.version = 14 : i64} {
  func.func @_post_body(%arg0: i32, %arg1: memref<400x256xf32, #tpu.memory_space<vmem>>, %arg2: memref<1x400x128xf32, #tpu.memory_space<vmem>>, %arg3: memref<1x400x128xf32, #tpu.memory_space<vmem>>, %arg4: memref<128x256xf32, #tpu.memory_space<vmem>>, %arg5: memref<128x256xf32, #tpu.memory_space<vmem>>, %arg6: memref<1x256xf32, #tpu.memory_space<vmem>>, %arg7: memref<1x512xf32, #tpu.memory_space<vmem>>, %arg8: memref<1x512xf32, #tpu.memory_space<vmem>>, %arg9: memref<400x512xf32, #tpu.memory_space<vmem>>) attributes {dimension_semantics = [#tpu.dimension_semantics<arbitrary>], iteration_bounds = array<i64: 25>, scalar_prefetch = 0 : i64, scratch_operands = 0 : i64, tpu.core_type = #tpu.core_type<tc>, window_params = [{transform_indices = @transform_0, window_bounds = array<i64: 400, 256>}, {transform_indices = @transform_1, window_bounds = array<i64: 1, 400, 128>}, {transform_indices = @transform_2, window_bounds = array<i64: 1, 400, 128>}, {pipeline_mode = #tpu.pipeline_mode<synchronous>, transform_indices = @transform_3, window_bounds = array<i64: 128, 256>}, {pipeline_mode = #tpu.pipeline_mode<synchronous>, transform_indices = @transform_4, window_bounds = array<i64: 128, 256>}, {pipeline_mode = #tpu.pipeline_mode<synchronous>, transform_indices = @transform_5, window_bounds = array<i64: 1, 256>}, {pipeline_mode = #tpu.pipeline_mode<synchronous>, transform_indices = @transform_6, window_bounds = array<i64: 1, 512>}, {pipeline_mode = #tpu.pipeline_mode<synchronous>, transform_indices = @transform_7, window_bounds = array<i64: 1, 512>}, {transform_indices = @transform_8, window_bounds = array<i64: 400, 512>}]} {
    %get3A = arith.constant 0 : index
    %get3A_0 = arith.constant 0 : index
    %get3A_1 = vector.load %arg1[%get3A, %get3A_0] : memref<400x256xf32, #tpu.memory_space<vmem>>, vector<400x256xf32>
    %get3A_2 = arith.constant 0 : index
    %get3A_3 = arith.constant 0 : index
    %get3A_4 = arith.constant 0 : index
    %get3A_5 = vector.load %arg2[%get3A_2, %get3A_3, %get3A_4] : memref<1x400x128xf32, #tpu.memory_space<vmem>>, vector<1x400x128xf32>
    %get3A_6 = vector.shape_cast %get3A_5 : vector<1x400x128xf32> to vector<400x128xf32>
    %get3A_7 = arith.constant 0 : index
    %get3A_8 = arith.constant 0 : index
    %get3A_9 = vector.load %arg4[%get3A_7, %get3A_8] : memref<128x256xf32, #tpu.memory_space<vmem>>, vector<128x256xf32>
    %dot_general3A = arith.constant dense<0.000000e+00> : vector<400x256xf32>
    %dot_general3A_10 = tpu.matmul %get3A_6, %get3A_9, %dot_general3A {dimension_numbers = #tpu.dot_dimension_numbers<[1], [0], [0], [1], [0, 0, 1, 1], [], []>, transpose_lhs_hint = false} : vector<400x128xf32>, vector<128x256xf32>, vector<400x256xf32> -> vector<400x256xf32>
    %get3A_11 = arith.constant 0 : index
    %get3A_12 = arith.constant 0 : index
    %get3A_13 = arith.constant 0 : index
    %get3A_14 = vector.load %arg3[%get3A_11, %get3A_12, %get3A_13] : memref<1x400x128xf32, #tpu.memory_space<vmem>>, vector<1x400x128xf32>
    %get3A_15 = vector.shape_cast %get3A_14 : vector<1x400x128xf32> to vector<400x128xf32>
    %get3A_16 = arith.constant 0 : index
    %get3A_17 = arith.constant 0 : index
    %get3A_18 = vector.load %arg5[%get3A_16, %get3A_17] : memref<128x256xf32, #tpu.memory_space<vmem>>, vector<128x256xf32>
    %dot_general3A_19 = arith.constant dense<0.000000e+00> : vector<400x256xf32>
    %dot_general3A_20 = tpu.matmul %get3A_15, %get3A_18, %dot_general3A_19 {dimension_numbers = #tpu.dot_dimension_numbers<[1], [0], [0], [1], [0, 0, 1, 1], [], []>, transpose_lhs_hint = false} : vector<400x128xf32>, vector<128x256xf32>, vector<400x256xf32> -> vector<400x256xf32>
    %add3A = arith.addf %dot_general3A_10, %dot_general3A_20 : vector<400x256xf32>
    %get3A_21 = arith.constant 0 : index
    %get3A_22 = arith.constant 0 : index
    %get3A_23 = vector.load %arg6[%get3A_21, %get3A_22] : memref<1x256xf32, #tpu.memory_space<vmem>>, vector<1x256xf32>
    %add3A_24 = vector.broadcast %get3A_23 : vector<1x256xf32> to vector<400x256xf32>
    %add3A_25 = arith.addf %add3A, %add3A_24 : vector<400x256xf32>
    %reduce_sum3A = arith.constant dense<0.000000e+00> : vector<400xf32>
    %reduce_sum3A_26 = vector.multi_reduction <add>, %get3A_1, %reduce_sum3A [1] : vector<400x256xf32> to vector<400xf32>
    %broadcast_in_dim3A = vector.shape_cast %reduce_sum3A_26 : vector<400xf32> to vector<400x1xf32>
    %reduce_sum3A_27 = arith.constant dense<0.000000e+00> : vector<400xf32>
    %reduce_sum3A_28 = vector.multi_reduction <add>, %add3A_25, %reduce_sum3A_27 [1] : vector<400x256xf32> to vector<400xf32>
    %broadcast_in_dim3A_29 = vector.shape_cast %reduce_sum3A_28 : vector<400xf32> to vector<400x1xf32>
    %add3A_30 = arith.addf %broadcast_in_dim3A, %broadcast_in_dim3A_29 : vector<400x1xf32>
    %mul3A = arith.constant 0.001953125 : f32
    %mul3A_31 = vector.broadcast %mul3A : f32 to vector<400x1xf32>
    %mul3A_32 = arith.mulf %add3A_30, %mul3A_31 : vector<400x1xf32>
    %mul3A_33 = arith.mulf %get3A_1, %get3A_1 : vector<400x256xf32>
    %reduce_sum3A_34 = arith.constant dense<0.000000e+00> : vector<400xf32>
    %reduce_sum3A_35 = vector.multi_reduction <add>, %mul3A_33, %reduce_sum3A_34 [1] : vector<400x256xf32> to vector<400xf32>
    %broadcast_in_dim3A_36 = vector.shape_cast %reduce_sum3A_35 : vector<400xf32> to vector<400x1xf32>
    %mul3A_37 = arith.mulf %add3A_25, %add3A_25 : vector<400x256xf32>
    %reduce_sum3A_38 = arith.constant dense<0.000000e+00> : vector<400xf32>
    %reduce_sum3A_39 = vector.multi_reduction <add>, %mul3A_37, %reduce_sum3A_38 [1] : vector<400x256xf32> to vector<400xf32>
    %broadcast_in_dim3A_40 = vector.shape_cast %reduce_sum3A_39 : vector<400xf32> to vector<400x1xf32>
    %add3A_41 = arith.addf %broadcast_in_dim3A_36, %broadcast_in_dim3A_40 : vector<400x1xf32>
    %mul3A_42 = arith.constant 0.001953125 : f32
    %mul3A_43 = vector.broadcast %mul3A_42 : f32 to vector<400x1xf32>
    %mul3A_44 = arith.mulf %add3A_41, %mul3A_43 : vector<400x1xf32>
    %mul3A_45 = arith.mulf %mul3A_32, %mul3A_32 : vector<400x1xf32>
    %sub3A = arith.subf %mul3A_44, %mul3A_45 : vector<400x1xf32>
    %add3A_46 = arith.constant 9.99999974E-6 : f32
    %add3A_47 = vector.broadcast %add3A_46 : f32 to vector<400x1xf32>
    %add3A_48 = arith.addf %sub3A, %add3A_47 : vector<400x1xf32>
    %rsqrt3A = math.rsqrt %add3A_48 : vector<400x1xf32>
    %sub3A_49 = vector.broadcast %mul3A_32 : vector<400x1xf32> to vector<400x256xf32>
    %sub3A_50 = arith.subf %get3A_1, %sub3A_49 : vector<400x256xf32>
    %mul3A_51 = vector.broadcast %rsqrt3A : vector<400x1xf32> to vector<400x256xf32>
    %mul3A_52 = arith.mulf %sub3A_50, %mul3A_51 : vector<400x256xf32>
    %get3A_53 = arith.constant 0 : index
    %get3A_54 = arith.constant 0 : index
    %get3A_55 = vector.load %arg7[%get3A_53, %get3A_54] : memref<1x512xf32, #tpu.memory_space<vmem>>, vector<1x256xf32>
    %mul3A_56 = vector.broadcast %get3A_55 : vector<1x256xf32> to vector<400x256xf32>
    %mul3A_57 = arith.mulf %mul3A_52, %mul3A_56 : vector<400x256xf32>
    %get3A_58 = arith.constant 0 : index
    %get3A_59 = arith.constant 0 : index
    %get3A_60 = vector.load %arg8[%get3A_58, %get3A_59] : memref<1x512xf32, #tpu.memory_space<vmem>>, vector<1x256xf32>
    %add3A_61 = vector.broadcast %get3A_60 : vector<1x256xf32> to vector<400x256xf32>
    %add3A_62 = arith.addf %mul3A_57, %add3A_61 : vector<400x256xf32>
    %swap3A = arith.constant 0 : index
    %swap3A_63 = arith.constant 0 : index
    %swap3A_64 = vector.load %arg9[%swap3A, %swap3A_63] : memref<400x512xf32, #tpu.memory_space<vmem>>, vector<400x256xf32>
    tpu.vector_store %arg9[%swap3A, %swap3A_63], %add3A_62 {strides = array<i32>} : memref<400x512xf32, #tpu.memory_space<vmem>>, vector<400x256xf32>,
    %sub3A_65 = vector.broadcast %mul3A_32 : vector<400x1xf32> to vector<400x256xf32>
    %sub3A_66 = arith.subf %add3A_25, %sub3A_65 : vector<400x256xf32>
    %mul3A_67 = vector.broadcast %rsqrt3A : vector<400x1xf32> to vector<400x256xf32>
    %mul3A_68 = arith.mulf %sub3A_66, %mul3A_67 : vector<400x256xf32>
    %get3A_69 = arith.constant 0 : index
    %get3A_70 = arith.constant 256 : index
    %get3A_71 = vector.load %arg7[%get3A_69, %get3A_70] : memref<1x512xf32, #tpu.memory_space<vmem>>, vector<1x256xf32>
    %mul3A_72 = vector.broadcast %get3A_71 : vector<1x256xf32> to vector<400x256xf32>
    %mul3A_73 = arith.mulf %mul3A_68, %mul3A_72 : vector<400x256xf32>
    %get3A_74 = arith.constant 0 : index
    %get3A_75 = arith.constant 256 : index
    %get3A_76 = vector.load %arg8[%get3A_74, %get3A_75] : memref<1x512xf32, #tpu.memory_space<vmem>>, vector<1x256xf32>
    %add3A_77 = vector.broadcast %get3A_76 : vector<1x256xf32> to vector<400x256xf32>
    %add3A_78 = arith.addf %mul3A_73, %add3A_77 : vector<400x256xf32>
    %swap3A_79 = arith.constant 0 : index
    %swap3A_80 = arith.constant 256 : index
    %swap3A_81 = vector.load %arg9[%swap3A_79, %swap3A_80] : memref<400x512xf32, #tpu.memory_space<vmem>>, vector<400x256xf32>
    tpu.vector_store %arg9[%swap3A_79, %swap3A_80], %add3A_78 {strides = array<i32>} : memref<400x512xf32, #tpu.memory_space<vmem>>, vector<400x256xf32>,
    return
  }
  func.func @transform_0(%arg0: i32) -> (i32, i32) {
    %c0_i32 = arith.constant 0 : i32
    %c0_i32_0 = arith.constant 0 : i32
    return %arg0, %c0_i32 : i32, i32
  }
  func.func @transform_1(%arg0: i32) -> (i32, i32, i32) {
    %c0_i32 = arith.constant 0 : i32
    %c0_i32_0 = arith.constant 0 : i32
    %c0_i32_1 = arith.constant 0 : i32
    return %c0_i32, %arg0, %c0_i32_0 : i32, i32, i32
  }
  func.func @transform_2(%arg0: i32) -> (i32, i32, i32) {
    %c1_i32 = arith.constant 1 : i32
    %c0_i32 = arith.constant 0 : i32
    %c0_i32_0 = arith.constant 0 : i32
    return %c1_i32, %arg0, %c0_i32 : i32, i32, i32
  }
  func.func @transform_3(%arg0: i32) -> (i32, i32) {
    %c0_i32 = arith.constant 0 : i32
    %c0_i32_0 = arith.constant 0 : i32
    %c0_i32_1 = arith.constant 0 : i32
    return %c0_i32, %c0_i32_0 : i32, i32
  }
  func.func @transform_4(%arg0: i32) -> (i32, i32) {
    %c0_i32 = arith.constant 0 : i32
    %c0_i32_0 = arith.constant 0 : i32
    %c0_i32_1 = arith.constant 0 : i32
    return %c0_i32, %c0_i32_0 : i32, i32
  }
  func.func @transform_5(%arg0: i32) -> (i32, i32) {
    %c0_i32 = arith.constant 0 : i32
    %c0_i32_0 = arith.constant 0 : i32
    %c0_i32_1 = arith.constant 0 : i32
    return %c0_i32, %c0_i32_0 : i32, i32
  }
  func.func @transform_6(%arg0: i32) -> (i32, i32) {
    %c0_i32 = arith.constant 0 : i32
    %c0_i32_0 = arith.constant 0 : i32
    %c0_i32_1 = arith.constant 0 : i32
    return %c0_i32, %c0_i32_0 : i32, i32
  }
  func.func @transform_7(%arg0: i32) -> (i32, i32) {
    %c0_i32 = arith.constant 0 : i32
    %c0_i32_0 = arith.constant 0 : i32
    %c0_i32_1 = arith.constant 0 : i32
    return %c0_i32, %c0_i32_0 : i32, i32
  }
  func.func @transform_8(%arg0: i32) -> (i32, i32) {
    %c0_i32 = arith.constant 0 : i32
    %c0_i32_0 = arith.constant 0 : i32
    return %arg0, %c0_i32 : i32, i32
  }
}

</mosaic_0001>

<sc_bundles>
// kernel: kernel.5.cloned.1.call-start
scs
__scs_entry_jumppad:
0x0: {  	(pc) =	sbr.rel $0x88, $3  }
0x1: {  	(tag) =	ssettag $0x0;
	lr =	simm.s32 $0x1  }
0x2: {  	[smem:$0x3F99] =	sst lr;
	_ =	strace $0xD0000000  }
0x3: {  	_ = 	snop  }
0x4: {  	_ = 	snop  }
0x5: {  	_ = 	snop  }
0x6: {  	_ = 	snop  }
0x7: {  	_ = 	snop  }
__scs_overlays_trampoline_lowered:
0x8: {  	[smem:$0x3FA8] =	sst s0  }
0x9: {  	[smem:$0x3FA9] =	sst s1  }
0xa: {  	[smem:$0x3FAA] =	sst s2  }
0xb: {  	[smem:$0x3FAB] =	sst s3  }
0xc: {  	[smem:$0x3FAC] =	sst s4  }
0xd: {  	[smem:$0x3FAD] =	sst s5  }
0xe: {  	[smem:$0x3FAE] =	sst s6  }
0xf: {  	[smem:$0x3FAF] =	sst s7  }
0x10: {  	[smem:$0x3FB0] =	sst s8  }
0x11: {  	[smem:$0x3FB1] =	sst s9;
	s0 =	simm.s32 @!p0 $0x0  }
0x12: {  	s1 =	sld [smem:$0x3F97];
	s0 =	simm.s32 @p0 $0x1  }
0x13: {  	[smem:$0x3FB2] =	sst s0;
	s0 =	simm.s32 @!p1 $0x0  }
0x14: {  	s2 =	sld [smem:$0x3F96];
	s0 =	simm.s32 @p1 $0x1  }
0x15: {  	[smem:$0x3FB3] =	sst s0;
	s0 =	simm.s32 @!p2 $0x0  }
0x16: {  	s3 =	sld [smem:$0x3FDB];
	s0 =	simm.s32 @p2 $0x1  }
0x17: {  	s4 =	simm.s32 $0x1BF5;
	[smem:$0x3FB5] =	sst s0  }
0x18: {  	s0 =	sld [smem:$0x3F98];
	_ =	swait.ge [sflag:s4], $0x0  }
0x19: {  	s7 =	sld [smem:$0x3F99]  }
0x1a: {  	s8 =	sadd.s32 $0xFFFFE003, lr  }
0x1b: {  	s9 =	sadd.s32 $0xFFFFFEF7, lr;
	s5 =	simm.s32 $0xFFFFFFFF;
	p2 =	slt.u32 s8, $0xFFFFF086  }
0x1c: {  	p1 =	slt.u32 s9, $0xF7A;
	s5 =	simm.s32 @!p2 $0x0  }
0x1d: {  	s5 =	simm.s32 @p1 $0x1;
	p0 =	seq.s32 s7, s2  }
0x1e: {  	s7 =	smul.u32 @!p0 $0xF7A, s2;
	p2 =	seq.s32 @!p0 s5, $0x0  }
0x1f: {  	s9 =	smul.u32 $0xF7A, s1;
	s8 =	simm.s32 @!p0 $0x1BF5;
	p2 =	por !p2, p0  }
0x20: {  	[sflag:s8] =	ssyncset.s32 @!p0 $0xFFFFF086;
	s6 =	sadd.s32 @!p0 s3, s7;
	s7 =	simm.s32 @!p0 $0x108  }
0x21: {  	s3 =	sadd.s32 s3, s9;
	s6 =	sadd.s32 @!p0 $0x88, s6;
	s7 =	simm.s32 @p2 $0x1082  }
0x22: {  	[simem:s7], [sflag:s8] =	dma.local @!p0 [hbm:s6], $0xF7A  }
0x23: {  	s9 =	sor.u32 $0xD0000000, s2;
	s6 =	simm.s32 $0x108;
	_ =	swait.ge @!p0 [sflag:s8], $0x0  }
0x24: {  	s3 =	sadd.s32 $0x88, s3;
	s6 =	simm.s32 @!p1 $0x1082;
	[sflag:s4] =	ssyncset.s32 $0xFFFFF086  }
0x25: {  	[simem:s6], [sflag:s4] =	dma.local [hbm:s3], $0xF7A  }
0x26: {  	[smem:$0x3F99] =	sst s1;
	(tag) =	ssettag s2;
	_ =	strace s9  }
0x27: {  	s1 =	sld [smem:$0x3FA9]  }
0x28: {  	s2 =	sld [smem:$0x3FAA]  }
0x29: {  	s4 =	sld [smem:$0x3FAC]  }
0x2a: {  	p0 =	seq.s32 s5, $0x0;
	s5 =	sld [smem:$0x3FAD]  }
0x2b: {  	s6 =	sld [smem:$0x3FAE]  }
0x2c: {  	s7 =	sld [smem:$0x3FAF]  }
0x2d: {  	s3 =	simm.s32 $0x108;
	s8 =	sld [smem:$0x3FB0]  }
0x2e: {  	s3 =	simm.s32 @!p0 $0x1082;
	s9 =	sld [smem:$0x3FB1]  }
0x2f: {  	lr =	sadd.s32 s0, s3;
	s0 =	sld [smem:$0x3FA8]  }
0x30: {  	s3 =	sld [smem:$0x3FAB]  }
0x31: {  	[smem:$0x3FB4] =	sst s10  }
0x32: {  	s10 =	sld [smem:$0x3FB2];
	_ =	sdelay $0x3  }
0x33: {  	p0 =	seq.s32 s10, $0x1;
	s10 =	sld [smem:$0x3FB4];
	_ =	sdelay $0x3  }
0x34: {  	[smem:$0x3FB4] =	sst s10  }
0x35: {  	s10 =	sld [smem:$0x3FB3];
	_ =	sdelay $0x3  }
0x36: {  	p1 =	seq.s32 s10, $0x1;
	s10 =	sld [smem:$0x3FB4];
	_ =	sdelay $0x3  }
0x37: {  	[smem:$0x3FB4] =	sst s10  }
0x38: {  	s10 =	sld [smem:$0x3FB5]  }
0x39: {  	_ = 	snop;
	(pc) =	sbr.ind lr, $3  }
0x3a: {  	_ = 	snop  }
0x3b: {  	_ = 	snop  }
0x3c: {  	p2 =	seq.s32 s10, $0x1;
	s10 =	sld [smem:$0x3FB4]  }
0x3d: {  	_ =	shalt  }
0x3e: {  	_ =	shalt  }
0x3f: {  	_ =	shalt  }
0x40: {  	_ =	shalt  }
0x41: {  	_ =	shalt  }
0x42: {  	_ =	shalt  }
0x43: {  	_ =	shalt  }
0x44: {  	_ =	shalt  }
0x45: {  	_ =	shalt  }
0x46: {  	_ =	shalt  }
0x47: {  	_ =	shalt  }
0x48: {  	_ =	shalt  }
0x49: {  	_ =	shalt  }
0x4a: {  	_ =	shalt  }
0x4b: {  	_ =	shalt  }
0x4c: {  	_ =	shalt  }
0x4d: {  	_ =	shalt  }
0x4e: {  	_ =	shalt  }
0x4f: {  	_ =	shalt  }
0x50: {  	_ =	shalt  }
0x51: {  	_ =	shalt  }
0x52: {  	_ =	shalt  }
0x53: {  	_ =	shalt  }
0x54: {  	_ =	shalt  }
0x55: {  	_ =	shalt  }
0x56: {  	_ =	shalt  }
0x57: {  	_ =	shalt  }
0x58: {  	_ =	shalt  }
0x59: {  	_ =	shalt  }
0x5a: {  	_ =	shalt  }
0x5b: {  	_ =	shalt  }
0x5c: {  	_ =	shalt  }
0x5d: {  	_ =	shalt  }
0x5e: {  	_ =	shalt  }
0x5f: {  	_ =	shalt  }
0x60: {  	_ =	shalt  }
0x61: {  	_ =	shalt  }
0x62: {  	_ =	shalt  }
0x63: {  	_ =	shalt  }
0x64: {  	_ =	shalt  }
0x65: {  	_ =	shalt  }
0x66: {  	_ =	shalt  }
0x67: {  	_ =	shalt  }
0x68: {  	_ =	shalt  }
0x69: {  	_ =	shalt  }
0x6a: {  	_ =	shalt  }
0x6b: {  	_ =	shalt  }
0x6c: {  	_ =	shalt  }
0x6d: {  	_ =	shalt  }
0x6e: {  	_ =	shalt  }
0x6f: {  	_ =	shalt  }
0x70: {  	_ =	shalt  }
0x71: {  	_ =	shalt  }
0x72: {  	_ =	shalt  }
0x73: {  	_ =	shalt  }
0x74: {  	_ =	shalt  }
0x75: {  	_ =	shalt  }
0x76: {  	_ =	shalt  }
0x77: {  	_ =	shalt  }
0x78: {  	_ =	shalt  }
0x79: {  	_ =	shalt  }
0x7a: {  	_ =	shalt  }
0x7b: {  	_ =	shalt  }
0x7c: {  	_ =	shalt  }
0x7d: {  	_ =	shalt  }
0x7e: {  	_ =	shalt  }
0x7f: {  	_ =	shalt  }
0x80: {  	_ =	shalt  }
0x81: {  	_ =	shalt  }
0x82: {  	_ =	shalt  }
0x83: {  	_ =	shalt  }
0x84: {  	_ =	shalt  }
0x85: {  	_ =	shalt  }
0x86: {  	_ =	shalt  }
0x87: {  	_ =	shalt  }
.Lfunc_end0:
.L_simem_size_0:
called_computation_lowered:
.L_overlay_start_0:
0x88: {  	s2 =	sld [smem:$0x3FD9]  }
0x89: {  	s3 =	sld [smem:$0x3FFE];
	_ =	sdelay $0x1  }
0x8a: {  	s1 =	srdreg.scid  }
0x8b: {  	s0 =	sand.u32 $0x1, s1  }
0x8c: {  	s17 =	sshll.u32 s0, $0xA;
	s2 =	sadd.s32 s3, s2  }
0x8d: {  	s2 =	sadd.s32 s2, s17  }
0x8e: {  	[smem:$0x3FC0] =	sst s2  }
0x8f: {  	_ = 	snop  }
0x90: {  	s2 =	sld [smem:$0x3FD0];
	(tm) =	ssettm $0x1  }
0x91: {  	s18 =	sld [smem:$0x3FFB];
	_ =	sdelay $0x3  }
0x92: {  	_ =	strace s18  }
0x93: {  	s3 =	sld [smem:$0x3FFC];
	_ =	sdelay $0x3  }
0x94: {  	_ =	strace s3  }
0x95: {  	s3 =	sld [smem:$0x3FFD];
	_ =	sdelay $0x3  }
0x96: {  	_ =	strace s3  }
0x97: {  	_ =	strace $0x8FFFFFFF  }
0x98: {  	s19 =	sld [smem:$0x3FDB];
	_ =	sdelay $0x1  }
0x99: {  	s4 =	simm.s32 $_scs_section_size  }
0x9a: {  	s5 =	simm.s32 $_size__tile_overlayer_lowered;
	s6 =	simm.s32 $_tile_overlayer_lowered  }
0x9b: {  	s22 =	simm.s32 $0x1BFF;
	s21 =	sshll.u32 s6, $0x1;
	s3 =	sadd.s32 s4, s19  }
0x9c: {  	s7 =	simm.s32 $0x0;
	s20 =	sshll.u32 s5, $0x1;
	s5 =	sadd.s32 s21, s3  }
0x9d: {  	[timem:s7], [sflag:s22] =	dma.local [hbm:s5], s20  }
0x9e: {  	_ =	swait.ge [sflag:s22], s20  }
0x9f: {  	s4 =	ssub.s32 $0x0, s20;
	[sflag:s22] =	ssyncset.done $0x0  }
0xa0: {  	[sflag:s22] =	ssyncadd.s32 s4;
	_ =	sdelay $0x1  }
0xa1: {  	s23 =	simm.s32 $0x1B8B  }
0xa2: {  	_ =	swait.ge [sflag:s23], $0x1  }
0xa3: {  	[sflag:s23] =	ssyncset.done $0x0  }
0xa4: {  	s25 =	simm.s32 $0x1B8E;
	s24 =	sld [smem:$0x3FFE];
	[sflag:s23] =	ssyncadd.s32 $0xFFFFFFFF  }
0xa5: {  	s26 =	simm.s32 $execute0_lowered;
	[smem:$0x3FD2] =	sst s25  }
0xa6: {  	s5 =	sshll.u32 s26, $0x1;
	_ =	strace $0x80000046;
	[dreg:$0x1] =	wrdreg $0xFFFFFFFF  }
0xa7: {  	s28 =	simm.s32 $_size_execute0_lowered;
	s3 =	sadd.s32 s3, s5;
	[dreg:$0x0] =	wrdreg $0x0  }
0xa8: {  	s5 =	sshll.u32 s28, $0x1;
	[dreg:$0x2] =	wrdreg s3  }
0xa9: {  	[dreg:$0x3] =	wrdreg s5  }
0xaa: {  	[dreg:$0x4] =	wrdreg $0xC0  }
0xab: {  	_ =	task [dreg:s7], $0x5FFFF  }
0xac: {  	[dreg:$0x1] =	wrdreg $0xFFFFFFFF  }
0xad: {  	[dreg:$0x0] =	wrdreg $0x60  }
0xae: {  	[dreg:$0x2] =	wrdreg s24  }
0xaf: {  	[dreg:$0x3] =	wrdreg s2  }
0xb0: {  	[dreg:$0x4] =	wrdreg $0xC0000  }
0xb1: {  	[dreg:$0x5] =	wrdreg $0x9  }
0xb2: {  	_ =	task.clear_ibuf [dreg:s7], $0x6FFFF;
	_ =	strace $0x90000046  }
0xb3: {  	s29 =	simm.s32 $0x9;
	_ =	strace $0x80000048  }
0xb4: {  	_ =	swait.ge [sflag:s29], $0x1  }
0xb5: {  	[sflag:s29] =	ssyncadd.s32 $0xFFFFFFFF  }
0xb6: {  	_ =	strace $0x90000048  }
0xb7: {  	_ =	sfence  }
0xb8: {  	s30 =	sld [smem:$0x0];
	_ =	sdelay $0x2  }
0xb9: {  	s31 =	sshll.u32 s1, $0xD;
	s1 =	sshrl.u32 s1, $0x2  }
0xba: {  	s3 =	sand.u32 $0x4000, s31;
	s1 =	sadd.s32 s1, s30  }
0xbb: {  	s0 =	sor.u32 s3, s0;
	s1 =	sshll.u32 s1, $0x11  }
0xbc: {  	s0 =	sor.u32 s1, s0  }
0xbd: {  	s0 =	sadd.s32 $0x8F2B, s0  }
0xbe: {  	[sflag:s0] =	ssyncadd.remote.s32 $0x1  }
0xbf: {  	_ =	sfence.sel $0xFFFF  }
0xc0: {  	[dreg:$0x0] =	wrdreg $0xFFFFFFFF;
	(pc) =	sbr.abs _section_cstart, $3  }
0xc1: {  	[dreg:$0x1] =	wrdreg $0xFFFFFFFF  }
0xc2: {  	_ =	task.clear_ibuf [dreg:s7], $0x2FFFF;
	_ =	strace $0x9FFFFFFF  }
0xc3: {  	(tm) =	ssettm $0x7FFFFFFF  }
tec
execute0_lowered:
.L_overlay_start_1:
0x0: {  	(tag) =	ssettag $0x1  }
0x1: {  	s1 =	srdreg.scid;
	s5 =	rddreg [dreg:$0x0]  }
0x2: {  	s0 =	stileid.u32;
	s9 =	rddreg [dreg:$0x1]  }
0x3: {  	s2 =	rddreg [dreg:$0x2];
	s3 =	simm.s32 $0x0;
	s15 =	simm.s32 $0x2800  }
0x4: {  	s16 =	simm.s32 $0x6000;
	s17 =	simm.s32 $0x60;
	s18 =	simm.s32 $0x9000  }
0x5: {  	s19 =	simm.s32 $0x1;
	s20 =	simm.s32 $0x2;
	s21 =	simm.s32 $0x2760  }
0x6: {  	s22 =	simm.s32 $0x5C00;
	s23 =	simm.s32 $0x5C80;
	s30 =	smul.u32 $0x700, s0  }
0x7: {  	s24 =	simm.s32 $0x0;
	s6 =	sand.u32 $0x1, s1;
	s10 =	smul.u32 $0x13C00, s0  }
0x8: {  	s28 =	sshrl.u32 s0, $0x3;
	s1 =	rddreg [dreg:$0x3];
	s12 =	smul.u32 $0x4F000, s0  }
0x9: {  	s8 =	sshll.u32 s0, $0x7;
	[smem:$0x7FF] =	sst s3;
	s4 =	smul.u32 $0x28000, s6  }
0xa: {  	s31 =	sshll.u32 s0, $0x6;
	s7 =	smul.u32 $0x14000, s28;
	s29 =	sand.u32 $0x380, s8  }
0xb: {  	_ =	strace $0x80000047;
	s11 =	ssub.s32 $0x2, s6;
	s6 =	smul.u32 $0x13C000, s6  }
0xc: {  	s8 =	sadd.s32 s30, s5;
	s13 =	sshrl.u32 s10, $0x3;
	s14 =	sshrl.u32 s11, $0x1  }
0xd: {  	s12 =	sshrl.u32 s12, $0x2;
	s4 =	sadd.s32 s4, s7;
	s11 =	ssub.s32 s11, s14  }
0xe: {  	s12 =	sadd.s32 s12, s2;
	s10 =	sadd.s32 s10, s6;
	s6 =	sor.u32 $0x1C03, s31  }
0xf: {  	s8 =	sadd.s32 $0x1A00, s8;
	s14 =	simm.s32 $0x400;
	s4 =	sor.u32 s29, s4  }
0x10: {  	s10 =	sshrl.u32 s10, $0x3;
	s7 =	sshrl.u32 s4, $0x3;
	s4 =	sadd.s32 $0x8A00, s5  }
0x11: {  	s9 =	sadd.s32 s9, s10;
	s10 =	smax.u32 s11, $0x1;
	s11 =	sshrl.u32 s12, $0x3  }
0x12: {  	s12 =	simm.s32 $0x3;
	s7 =	sadd.s32 s7, s5;
	s5 =	sadd.s32 s13, s5  }
0x13: {  	s13 =	simm.s32 $0x80;
	s5 =	sadd.s32 $0x60C00, s5;
	s7 =	sadd.s32 $0x56C00, s7  }
.LBB2_1:
0x14: {  	[spmem:s11], [sflag:s6] =	dma.local [hbm:s5], $0x2780  }
0x15: {  	_ =	swait.ge [sflag:s12], $0x2780  }
0x16: {  	[sflag:s12] =	ssyncset.done $0x0  }
0x17: {  	[sflag:s12] =	ssyncadd.s32 $0xFFFFD880  }
0x18: {  	[tilespmem:s3], [sflag:$0x3] =	stream.strided.gather [hbm4b:s7+s13], $0x2800, s14, s13, $0x38;
	[tilespmem:$0x1FC00] =	vst v63  }
0x19: {  	_ =	swait.ge [sflag:s12], $0x2800  }
0x1a: {  	[sflag:s12] =	ssyncset.done $0x0  }
0x1b: {  	[sflag:s12] =	ssyncadd.s32 $0xFFFFD800  }
0x1c: {  	[tilespmem:s15], [sflag:$0x3] =	stream.linear.gather [hbm4b:s8+s3], $0x3500, $0x38;
	[tilespmem:$0x1FC00] =	vst v63  }
0x1d: {  	_ =	swait.ge [sflag:s12], $0x3500  }
0x1e: {  	[sflag:s12] =	ssyncset.done $0x0  }
0x1f: {  	[sflag:s12] =	ssyncadd.s32 $0xFFFFCB00  }
0x20: {  	[bflag:$0x0] =	sbarrier.arrive $0xFFFF  }
0x21: {  	[tilespmem:s16], [sflag:$0x1] =	stream.indirect.gather [hbm4b:s4+s17], $0x80, s3, s17, $0xb8;
	[tilespmem:$0x1FC00] =	vst v63  }
0x22: {  	_ = 	snop  }
0x23: {  	[tilespmem:s18], [sflag:$0x2] =	stream.indirect.gather [hbm4b:s4+s17], $0x80, s17, s17, $0xb8;
	[tilespmem:$0x1FC00] =	vst v63  }
0x24: {  	_ =	swait.ge [sflag:s19], $0x3000  }
0x25: {  	[sflag:s19] =	ssyncset.done $0x0  }
0x26: {  	s25 =	simm.s32 $0x2800;
	[sflag:s19] =	ssyncadd.s32 $0xFFFFD000  }
0x27: {  	[spmem:s2] =	stream.indirect.scatter.add.f32 [tilespmem:s16], [sflag:$0x3], $0x80, s25, s17, $0xb8;
	[tilespmem:$0x1FC00] =	vst v63  }
0x28: {  	_ =	swait.ge [sflag:s12], $0x3000  }
0x29: {  	[sflag:s12] =	ssyncset.done $0x0  }
0x2a: {  	s30 =	simm.s32 $0xC0;
	[sflag:s12] =	ssyncadd.s32 $0xFFFFD000  }
0x2b: {  	[tilespmem:s16], [sflag:$0x1] =	stream.indirect.gather [hbm4b:s4+s17], $0x80, s30, s17, $0xb8;
	[tilespmem:$0x1FC00] =	vst v63  }
0x2c: {  	_ =	swait.ge [sflag:s20], $0x3000  }
0x2d: {  	[sflag:s20] =	ssyncset.done $0x0  }
0x2e: {  	s31 =	simm.s32 $0x2880;
	[sflag:s20] =	ssyncadd.s32 $0xFFFFD000  }
0x2f: {  	[spmem:s2] =	stream.indirect.scatter.add.f32 [tilespmem:s18], [sflag:$0x3], $0x80, s31, s17, $0xb8;
	[tilespmem:$0x1FC00] =	vst v63  }
0x30: {  	_ =	swait.ge [sflag:s12], $0x3000  }
0x31: {  	s26 =	simm.s32 $0x60;
	s25 =	simm.s32 $0x400;
	[sflag:s12] =	ssyncset.done $0x0  }
.LBB2_2:
0x32: {  	p0 =	sne.s32 s25, $0xCC00;
	[sflag:s12] =	ssyncadd.s32 $0xFFFFD000;
	s26 =	sadd.s32 $0xC0, s26  }
0x33: {  	[tilespmem:s18], [sflag:$0x2] =	stream.indirect.gather [hbm4b:s4+s17], $0x80, s26, s17, $0xb8;
	[tilespmem:$0x1FC00] =	vst v63  }
0x34: {  	s28 =	smov.u32 s25;
	s25 =	sadd.s32 $0x400, s25;
	_ =	swait.ge [sflag:s19], $0x3000  }
0x35: {  	s28 =	sshra.s32 s28, $0x2;
	[sflag:s19] =	ssyncset.done $0x0  }
0x36: {  	s29 =	sadd.s32 $0x2800, s28;
	[sflag:s19] =	ssyncadd.s32 $0xFFFFD000  }
0x37: {  	[spmem:s2] =	stream.indirect.scatter.add.f32 [tilespmem:s16], [sflag:$0x3], $0x80, s29, s17, $0xb8;
	[tilespmem:$0x1FC00] =	vst v63  }
0x38: {  	_ =	swait.ge [sflag:s12], $0x3000  }
0x39: {  	[sflag:s12] =	ssyncset.done $0x0  }
0x3a: {  	s29 =	sadd.s32 $0x60, s26;
	[sflag:s12] =	ssyncadd.s32 $0xFFFFD000  }
0x3b: {  	[tilespmem:s16], [sflag:$0x1] =	stream.indirect.gather [hbm4b:s4+s17], $0x80, s29, s17, $0xb8;
	[tilespmem:$0x1FC00] =	vst v63  }
0x3c: {  	_ =	swait.ge [sflag:s20], $0x3000  }
.Ltmp0:
0x3d: {  	[sflag:s20] =	ssyncset.done $0x0;
	(pc) =	sbr.rel @p0 .LBB2_2-.Ltmp0, $4  }
0x3e: {  	s28 =	sadd.s32 $0x2880, s28;
	[sflag:s20] =	ssyncadd.s32 $0xFFFFD000  }
0x3f: {  	[spmem:s2] =	stream.indirect.scatter.add.f32 [tilespmem:s18], [sflag:$0x3], $0x80, s28, s17, $0xb8;
	[tilespmem:$0x1FC00] =	vst v63  }
0x40: {  	_ =	swait.ge [sflag:s12], $0x3000  }
0x41: {  	[sflag:s12] =	ssyncset.done $0x0  }
0x42: {  	[sflag:s12] =	ssyncadd.s32 $0xFFFFD000  }
0x43: {  	[tilespmem:s18], [sflag:$0x2] =	stream.indirect.gather [hbm4b:s4+s17], $0x80, s21, s17, $0xb8;
	[tilespmem:$0x1FC00] =	vst v63  }
0x44: {  	_ =	swait.ge [sflag:s19], $0x3000  }
0x45: {  	[sflag:s19] =	ssyncset.done $0x0  }
0x46: {  	[sflag:s19] =	ssyncadd.s32 $0xFFFFD000  }
0x47: {  	[spmem:s2] =	stream.indirect.scatter.add.f32 [tilespmem:s16], [sflag:$0x3], $0x80, s22, s17, $0xb8;
	[tilespmem:$0x1FC00] =	vst v63  }
0x48: {  	_ =	swait.ge [sflag:s12], $0x3000  }
0x49: {  	[sflag:s12] =	ssyncset.done $0x0  }
0x4a: {  	[sflag:s12] =	ssyncadd.s32 $0xFFFFD000  }
0x4b: {  	_ =	swait.ge [sflag:s20], $0x3000  }
0x4c: {  	[sflag:s20] =	ssyncset.done $0x0  }
0x4d: {  	[sflag:s20] =	ssyncadd.s32 $0xFFFFD000  }
0x4e: {  	[spmem:s2] =	stream.indirect.scatter.add.f32 [tilespmem:s18], [sflag:$0x3], $0x80, s23, s17, $0xb8;
	[tilespmem:$0x1FC00] =	vst v63  }
0x4f: {  	_ =	swait.ge [sflag:s12], $0x3000  }
0x50: {  	s24 =	sadd.s32 $0x1, s24;
	[sflag:s12] =	ssyncset.done $0x0  }
0x51: {  	p0 =	sne.s32 s24, s10;
	[sflag:s12] =	ssyncadd.s32 $0xFFFFD000  }
.Ltmp1:
0x52: {  	[bflag:$0x0] =	sbarrier.arrive $0xFFFF;
	(pc) =	sbr.rel @p0 .LBB2_1-.Ltmp1, $4  }
0x53: {  	[hbm:s9], [sflag:s6] =	dma.local [spmem:s11], $0x2780  }
0x54: {  	_ =	swait.ge [sflag:s12], $0x2780  }
0x55: {  	[sflag:s12] =	ssyncset.done $0x0  }
0x56: {  	[sflag:s12] =	ssyncadd.s32 $0xFFFFD880  }
0x57: {  	_ =	sfence.sel $0x180000  }
0x58: {  	[bflag:$0x0] =	sbarrier.arrive $0xFFFF  }
0x59: {  	p0 =	sne.s32 s0, $0x0;
	_ =	strace $0x90000047  }
0x5a: {  	s0 =	sadd.s32 @!p0 $0x100000, s1;
	[bflag:$0x2] =	sbarrier.arrive $0xFFFF  }
0x5b: {  	[sflag:s0] =	ssyncadd.tile.s32 @!p0 $0x1;
	_ =	shalt  }
.Lfunc_end2:
_tile_overlayer_lowered:
.L_overlay_start_2:
0x5c: {  	(tag) =	ssettag $0x2  }
0x5d: {  	s0 =	rddreg [dreg:$0x0];
	s2 =	stileid.u32  }
0x5e: {  	s1 =	rddreg [dreg:$0x1];
	p0 =	sne.s32 s2, $0x0  }
0x5f: {  	s3 =	rddreg [dreg:$0x2];
	[bflag:$0x3] =	sbarrier.arrive $0xFFFF;
	s2 =	simm.s32 @!p0 $0x1C03  }
0x60: {  	[timem:s3], [sflag:s2] =	dma.local @!p0 [hbm:s0], s1  }
0x61: {  	s0 =	simm.s32 @!p0 $0x3  }
0x62: {  	_ =	swait.ge @!p0 [sflag:s0], s1  }
0x63: {  	s1 =	ssub.s32 @!p0 $0x0, s1;
	[sflag:s0] =	ssyncset.done @!p0 $0x0  }
0x64: {  	[sflag:s0] =	ssyncadd.s32 @!p0 s1  }
0x65: {  	[bflag:$0x3] =	sbarrier.arrive $0xFFFF  }
0x66: {  	_ =	shalt  }

</sc_bundles>
